<compile_context>
chip_gen: v7x
topology: tpu7x:2x2x1
jax: 0.10.2.dev20260603
libtpu: 0.0.44.dev20260713+nightly
codegen_flags: <defaults>
</compile_context>

<pallas_src>
import functools

import numpy as np
import jax
import jax.numpy as jnp
from jax import lax
from jax.experimental import pallas as pl
from jax.experimental.pallas import tpu as pltpu
from jax.experimental.pallas import tpu_sc as plsc

_H, _W, _C = 512, 512, 3
_SIGMA = 0.4
_RADIUS = 2
_MAX_DELTA = 1
_WC = _W * _C

_NC, _NS, _L = 2, 16, 16
_NW = _NC * _NS
_ROWS_PER_W = _H // _NW
_WIN_ROWS = _ROWS_PER_W + 1
_CHUNKS = _ROWS_PER_W * _WC // _L


def _blur_taps() -> np.ndarray:
    x = np.arange(-_RADIUS, _RADIUS + 1)
    k = np.exp(-0.5 * (x / _SIGMA) ** 2)
    k = (k / k.sum()).astype(np.float64)
    k3 = k[1:4] / k[1:4].sum()
    return k3.astype(np.float32)


_K = _blur_taps()
_TAP_R = 1

_IDX_CACHE = None


def _gather_index_plane():
    global _IDX_CACHE
    if _IDX_CACHE is not None:
        return _IDX_CACHE
    n = (_H - 2 * _MAX_DELTA) * (_W - 2 * _MAX_DELTA)
    with jax.ensure_compile_time_eval():
        dxy = jax.random.randint(
            jax.random.key(1), (n, 2), -_MAX_DELTA, _MAX_DELTA,
            dtype=jnp.int32,
        )
    d = np.asarray(dxy).reshape(_H - 2, _W - 2, 2)
    a = np.zeros((_H, _W), np.int32)
    b = np.zeros((_H, _W), np.int32)
    a[2:, 2:] = -d[::-1, ::-1, 1]
    b[2:, 2:] = -d[::-1, ::-1, 0]
    a3 = np.repeat(a, _C, axis=1)
    b3 = np.repeat(b, _C, axis=1)
    h = np.arange(_H)[:, None]
    local_row = (h % _ROWS_PER_W) + (h >= _ROWS_PER_W) - a3
    local_col = np.arange(_WC)[None, :] - _C * b3
    _IDX_CACHE = (local_row * _WC + local_col).astype(np.int32).reshape(-1)
    return _IDX_CACHE



def _shift_rows(x, d):
    if d < 0:
        return jnp.concatenate([jnp.broadcast_to(x[:1], (-d,) + x.shape[1:]),
                                x[:d]], axis=0)
    if d > 0:
        return jnp.concatenate([x[d:],
                                jnp.broadcast_to(x[-1:], (d,) + x.shape[1:])],
                               axis=0)
    return x


def _shift_pixels(x, d):
    L = d * _C
    if d < 0:
        edge = x[:, :_C]
        reps = [edge] * (-d) + [x[:, :L]]
        return jnp.concatenate(reps, axis=1)
    if d > 0:
        edge = x[:, -_C:]
        reps = [x[:, L:]] + [edge] * d
        return jnp.concatenate(reps, axis=1)
    return x


def _blur2d(x):
    acc = _K[_TAP_R] * x
    for r in range(1, _TAP_R + 1):
        acc = acc + _K[_TAP_R - r] * (_shift_rows(x, -r) + _shift_rows(x, r))
    x = acc
    acc = _K[_TAP_R] * x
    for r in range(1, _TAP_R + 1):
        acc = acc + _K[_TAP_R - r] * (_shift_pixels(x, -r) + _shift_pixels(x, r))
    return acc


def _blur_body(x_ref, o_ref):
    o_ref[...] = _blur2d(x_ref[...])


def _blur_clip_body(x_ref, o_ref):
    o_ref[...] = jnp.clip(_blur2d(x_ref[...]), 0.0, 1.0)


def _tc_blur(x, clip):
    return pl.pallas_call(
        _blur_clip_body if clip else _blur_body,
        out_shape=jax.ShapeDtypeStruct((_H, _WC), jnp.float32),
        compiler_params=pltpu.CompilerParams(skip_device_barrier=True),
    )(x)



def _sc_gather_body(src_hbm, idx_hbm, out_hbm, src_v, idx_v, out_v):
    wid = lax.axis_index("s") * _NC + lax.axis_index("c")
    base = wid * _ROWS_PER_W
    win_start = jnp.maximum(base - 1, 0)
    pltpu.sync_copy(src_hbm.at[pl.ds(win_start * _WC, _WIN_ROWS * _WC)], src_v)
    pltpu.sync_copy(idx_hbm.at[pl.ds(base * _WC, _ROWS_PER_W * _WC)], idx_v)

    @plsc.parallel_loop(0, _CHUNKS, unroll=8)
    def _(i):
        sl = pl.ds(i * _L, _L)
        out_v[sl] = plsc.load_gather(src_v, [idx_v[sl]])

    pltpu.sync_copy(out_v, out_hbm.at[pl.ds(base * _WC, _ROWS_PER_W * _WC)])


@functools.partial(
    pl.kernel,
    out_type=jax.ShapeDtypeStruct((_H * _WC,), jnp.float32),
    mesh=plsc.VectorSubcoreMesh(core_axis_name="c", subcore_axis_name="s"),
    compiler_params=pltpu.CompilerParams(
        needs_layout_passes=False, skip_device_barrier=True
    ),
    scratch_types=[
        pltpu.VMEM((_WIN_ROWS * _WC,), jnp.float32),
        pltpu.VMEM((_ROWS_PER_W * _WC,), jnp.int32),
        pltpu.VMEM((_ROWS_PER_W * _WC,), jnp.float32),
    ],
)
def _sc_gather(src_hbm, idx_hbm, out_hbm, src_v, idx_v, out_v):
    _sc_gather_body(src_hbm, idx_hbm, out_hbm, src_v, idx_v, out_v)


def kernel(img):
    idx = jnp.asarray(_gather_index_plane())
    flat = img.reshape(_H, _WC)
    blurred = _tc_blur(flat, clip=False)
    gathered = _sc_gather(blurred.reshape(_H * _WC), idx)
    out = _tc_blur(gathered.reshape(_H, _WC), clip=True)
    return out.reshape(_H, _W, _C)

# --- scband reference (transcript-rebuilt; emitter-appended) ---
"""Pipeline reference for scband-glass-blur-43602507989290 (READ-ONLY COPY).

The authoritative reference and input builder live on the scoring server;
editing this copy changes nothing except your own understanding.
"""

import jax, jax.numpy as jnp
import numpy as np

SEVERITY = 3
SIGMA = [0.05, 0.25, 0.4, 0.25, 0.4][SEVERITY - 1]
MAX_DELTA = 1
ITERATIONS = [1, 1, 1, 2, 2][SEVERITY - 1]
H, W, C = 512, 512, 3


def _gaussian_blur(img, sigma):
    # skimage-style gaussian: truncate=4.0, separable spatial conv per channel, edge padding
    radius = max(int(4.0 * sigma + 0.5), 1)
    x = np.arange(-radius, radius + 1)
    k = np.exp(-0.5 * (x / sigma) ** 2)
    k = (k / k.sum()).astype(np.float32)
    k = jnp.asarray(k)
    out = img
    for axis in (0, 1):
        pad = [(0, 0)] * out.ndim
        pad[axis] = (radius, radius)
        p = jnp.pad(out, pad, mode='edge')
        acc = jnp.zeros_like(out)
        for i in range(2 * radius + 1):
            sl = [slice(None)] * out.ndim
            sl[axis] = slice(i, i + out.shape[axis])
            acc = acc + k[i] * p[tuple(sl)]
        out = acc
    return out


def _swap_xs():
    # h in range(H - max_delta, max_delta, -1), w likewise, repeated `iterations` times
    hs = np.arange(H - MAX_DELTA, MAX_DELTA, -1)
    ws = np.arange(W - MAX_DELTA, MAX_DELTA, -1)
    HH = np.repeat(hs, len(ws))
    WW = np.tile(ws, len(hs))
    hh = np.tile(HH, ITERATIONS).astype(np.int32)
    ww = np.tile(WW, ITERATIONS).astype(np.int32)
    n = hh.shape[0]
    # torch.randint(-max_delta, max_delta) -> values in {-1, 0}; jax maxval exclusive too
    dxy = jax.random.randint(jax.random.key(1), (n, 2), -MAX_DELTA, MAX_DELTA, dtype=jnp.int32)
    return jnp.stack([jnp.asarray(hh), jnp.asarray(ww), dxy[:, 0], dxy[:, 1]], axis=1)


def setup_inputs(seed: int = 0) -> dict:
    key = jax.random.key(seed)
    img = jax.random.uniform(key, (H, W, C), dtype=jnp.float32)
    return {"img": img}


def reference(img):
    img = _gaussian_blur(img, SIGMA)
    xs = _swap_xs()

    def body(im, x):
        h, w, dx, dy = x[0], x[1], x[2], x[3]
        hp = h + dy
        wp = w + dx
        # Faithful to the torch tuple-assignment semantics:
        # rhs0 = img[h_prime, w_prime] (tensor-index -> copy), rhs1 = img[h, w] (int-index -> VIEW).
        # After img[h,w] = rhs0, the view rhs1 reads the NEW value, so the second write is a no-op.
        a = im[hp, wp]
        im = im.at[h, w].set(a)
        b = im[h, w]  # view semantics: reads the freshly written value
        im = im.at[hp, wp].set(b)
        return im, None

    img, _ = jax.lax.scan(body, img, xs)
    img = _gaussian_blur(img, SIGMA)
    return jnp.clip(img, 0.0, 1.0)

if __name__ == "__main__":
    import jax
    _d = setup_inputs()
    print(jax.jit(kernel)(*tuple(_d.values())))

</pallas_src>

<mosaic_0001>
#map = affine_map<(d0, d1) -> (0)>
module attributes {stable_mosaic.version = 14 : i64} {
  func.func @_sc_gather(%arg0: i32, %arg1: i32, %arg2: memref<786432xf32, #tpu.memory_space<hbm>>, %arg3: memref<786432xi32, #tpu.memory_space<hbm>>, %arg4: memref<786432xf32, #tpu.memory_space<hbm>>, %arg5: memref<26112xf32, #tpu.memory_space<vmem>>, %arg6: memref<24576xi32, #tpu.memory_space<vmem>>, %arg7: memref<24576xf32, #tpu.memory_space<vmem>>) attributes {dimension_semantics = [#tpu.dimension_semantics<core_parallel>, #tpu.dimension_semantics<subcore_parallel>], iteration_bounds = array<i64: 2, 16>, scalar_prefetch = 0 : i64, scratch_operands = 3 : i64, tpu.core_type = #tpu.core_type<sc_vector_subcore>, window_params = [{transform_indices = #map}, {transform_indices = #map}, {transform_indices = #map}]} {
    %mul3A = arith.constant 2 : i32
    %mul3A_0 = arith.muli %arg1, %mul3A : i32
    %add3A = arith.addi %mul3A_0, %arg0 : i32
    %mul3A_1 = arith.constant 16 : i32
    %mul3A_2 = arith.muli %add3A, %mul3A_1 : i32
    %sub3A = arith.constant 1 : i32
    %sub3A_3 = arith.subi %mul3A_2, %sub3A : i32
    %max3A = arith.constant 0 : i32
    %max3A_4 = arith.maxsi %sub3A_3, %max3A : i32
    %mul3A_5 = arith.constant 1536 : i32
    %mul3A_6 = arith.muli %max3A_4, %mul3A_5 : i32
    "tpu.region"() ({
      %run_scoped3A = tpu.sem_alloc : memref<!tpu.dma_semaphore, #tpu.memory_space<semaphore_mem>>
      %dma_start3A = tpu.memref_slice %arg2[%mul3A_6] : memref<786432xf32, #tpu.memory_space<hbm>> -> memref<26112xf32, #tpu.memory_space<hbm>>
      %dma_start3A_13 = tpu.memref_slice %arg2[%mul3A_6] : memref<786432xf32, #tpu.memory_space<hbm>> -> memref<26112xf32, #tpu.memory_space<hbm>>
      tpu.enqueue_dma source(%dma_start3A_13 : memref<26112xf32, #tpu.memory_space<hbm>>) target(%arg5 : memref<26112xf32, #tpu.memory_space<vmem>>) target_semaphore(%run_scoped3A : memref<!tpu.dma_semaphore, #tpu.memory_space<semaphore_mem>>)
      %dma_wait3A = tpu.memref_slice %arg2[%mul3A_6] : memref<786432xf32, #tpu.memory_space<hbm>> -> memref<26112xf32, #tpu.memory_space<hbm>>
      %dma_wait3A_14 = tpu.memref_slice %arg2[%mul3A_6] : memref<786432xf32, #tpu.memory_space<hbm>> -> memref<26112xf32, #tpu.memory_space<hbm>>
      tpu.wait_dma2 semaphore(%run_scoped3A : memref<!tpu.dma_semaphore, #tpu.memory_space<semaphore_mem>>) src(%dma_wait3A_14 : memref<26112xf32, #tpu.memory_space<hbm>>) dst(%arg5 : memref<26112xf32, #tpu.memory_space<vmem>>)
      tpu.yield
    }) : () -> ()
    %mul3A_7 = arith.constant 1536 : i32
    %mul3A_8 = arith.muli %mul3A_2, %mul3A_7 : i32
    "tpu.region"() ({
      %run_scoped3A = tpu.sem_alloc : memref<!tpu.dma_semaphore, #tpu.memory_space<semaphore_mem>>
      %dma_start3A = tpu.memref_slice %arg3[%mul3A_8] : memref<786432xi32, #tpu.memory_space<hbm>> -> memref<24576xi32, #tpu.memory_space<hbm>>
      %dma_start3A_13 = tpu.memref_slice %arg3[%mul3A_8] : memref<786432xi32, #tpu.memory_space<hbm>> -> memref<24576xi32, #tpu.memory_space<hbm>>
      tpu.enqueue_dma source(%dma_start3A_13 : memref<24576xi32, #tpu.memory_space<hbm>>) target(%arg6 : memref<24576xi32, #tpu.memory_space<vmem>>) target_semaphore(%run_scoped3A : memref<!tpu.dma_semaphore, #tpu.memory_space<semaphore_mem>>)
      %dma_wait3A = tpu.memref_slice %arg3[%mul3A_8] : memref<786432xi32, #tpu.memory_space<hbm>> -> memref<24576xi32, #tpu.memory_space<hbm>>
      %dma_wait3A_14 = tpu.memref_slice %arg3[%mul3A_8] : memref<786432xi32, #tpu.memory_space<hbm>> -> memref<24576xi32, #tpu.memory_space<hbm>>
      tpu.wait_dma2 semaphore(%run_scoped3A : memref<!tpu.dma_semaphore, #tpu.memory_space<semaphore_mem>>) src(%dma_wait3A_14 : memref<24576xi32, #tpu.memory_space<hbm>>) dst(%arg6 : memref<24576xi32, #tpu.memory_space<vmem>>)
      tpu.yield
    }) : () -> ()
    %parallel_loop3A = arith.constant 0 : i32
    %parallel_loop3A_9 = arith.constant 1536 : i32
    %parallel_loop3A_10 = arith.constant 1 : i32
    scf.for %parallel_loop3A_13 = %parallel_loop3A to %parallel_loop3A_9 step %parallel_loop3A_10  : i32 {
      %parallel_loop3A_14 = arith.constant 16 : i32
      %parallel_loop3A_15 = arith.muli %parallel_loop3A_13, %parallel_loop3A_14 : i32
      %parallel_loop3A_16 = arith.index_cast %parallel_loop3A_15 : i32 to index
      %parallel_loop3A_17 = tpu.vector_load %arg6[%parallel_loop3A_16] {strides = array<i32>} : memref<24576xi32, #tpu.memory_space<vmem>>, vector<16xi32>,
      %parallel_loop3A_18 = tpu.vector_load_idx %arg5[%parallel_loop3A_17] : memref<26112xf32, #tpu.memory_space<vmem>>[vector<16xi32>], vector<16xf32>,
      %parallel_loop3A_19 = arith.index_cast %parallel_loop3A_15 : i32 to index
      %parallel_loop3A_20 = tpu.vector_load %arg7[%parallel_loop3A_19] {strides = array<i32>} : memref<24576xf32, #tpu.memory_space<vmem>>, vector<16xf32>,
      tpu.vector_store %arg7[%parallel_loop3A_19], %parallel_loop3A_18 {strides = array<i32>} : memref<24576xf32, #tpu.memory_space<vmem>>, vector<16xf32>,
    } {sc.loop_unroll_factor = 8 : i64, sc.parallel_access}
    %mul3A_11 = arith.constant 1536 : i32
    %mul3A_12 = arith.muli %mul3A_2, %mul3A_11 : i32
    "tpu.region"() ({
      %run_scoped3A = tpu.sem_alloc : memref<!tpu.dma_semaphore, #tpu.memory_space<semaphore_mem>>
      %dma_start3A = tpu.memref_slice %arg4[%mul3A_12] : memref<786432xf32, #tpu.memory_space<hbm>> -> memref<24576xf32, #tpu.memory_space<hbm>>
      %dma_start3A_13 = tpu.memref_slice %arg4[%mul3A_12] : memref<786432xf32, #tpu.memory_space<hbm>> -> memref<24576xf32, #tpu.memory_space<hbm>>
      tpu.enqueue_dma source(%arg7 : memref<24576xf32, #tpu.memory_space<vmem>>) target(%dma_start3A_13 : memref<24576xf32, #tpu.memory_space<hbm>>) target_semaphore(%run_scoped3A : memref<!tpu.dma_semaphore, #tpu.memory_space<semaphore_mem>>)
      %dma_wait3A = tpu.memref_slice %arg4[%mul3A_12] : memref<786432xf32, #tpu.memory_space<hbm>> -> memref<24576xf32, #tpu.memory_space<hbm>>
      %dma_wait3A_14 = tpu.memref_slice %arg4[%mul3A_12] : memref<786432xf32, #tpu.memory_space<hbm>> -> memref<24576xf32, #tpu.memory_space<hbm>>
      tpu.wait_dma2 semaphore(%run_scoped3A : memref<!tpu.dma_semaphore, #tpu.memory_space<semaphore_mem>>) src(%arg7 : memref<24576xf32, #tpu.memory_space<vmem>>) dst(%dma_wait3A_14 : memref<24576xf32, #tpu.memory_space<hbm>>)
      tpu.yield
    }) : () -> ()
    return
  }
}

module attributes {stable_mosaic.version = 14 : i64} {
  func.func @_blur_body(%arg0: memref<512x1536xf32, #tpu.memory_space<vmem>>, %arg1: memref<512x1536xf32, #tpu.memory_space<vmem>>) attributes {dimension_semantics = [], scalar_prefetch = 0 : i64, scratch_operands = 0 : i64, tpu.core_type = #tpu.core_type<tc>} {
    %get3A = arith.constant 0 : index
    %get3A_0 = arith.constant 0 : index
    %get3A_1 = vector.load %arg0[%get3A, %get3A_0] : memref<512x1536xf32, #tpu.memory_space<vmem>>, vector<512x1536xf32>
    %mul3A = arith.constant 0.919224202 : f32
    %mul3A_2 = vector.broadcast %mul3A : f32 to vector<512x1536xf32>
    %mul3A_3 = arith.mulf %mul3A_2, %get3A_1 : vector<512x1536xf32>
    %slice3A = vector.extract_strided_slice %get3A_1 {offsets = [0, 0], sizes = [1, 1536], strides = [1, 1]} : vector<512x1536xf32> to vector<1x1536xf32>
    %slice3A_4 = vector.extract_strided_slice %get3A_1 {offsets = [0, 0], sizes = [511, 1536], strides = [1, 1]} : vector<512x1536xf32> to vector<511x1536xf32>
    %concatenate3A = tpu.concatenate %slice3A, %slice3A_4 in 0 : vector<1x1536xf32>, vector<511x1536xf32> -> vector<512x1536xf32>
    %slice3A_5 = vector.extract_strided_slice %get3A_1 {offsets = [1, 0], sizes = [511, 1536], strides = [1, 1]} : vector<512x1536xf32> to vector<511x1536xf32>
    %slice3A_6 = vector.extract_strided_slice %get3A_1 {offsets = [511, 0], sizes = [1, 1536], strides = [1, 1]} : vector<512x1536xf32> to vector<1x1536xf32>
    %concatenate3A_7 = tpu.concatenate %slice3A_5, %slice3A_6 in 0 : vector<511x1536xf32>, vector<1x1536xf32> -> vector<512x1536xf32>
    %add3A = arith.addf %concatenate3A, %concatenate3A_7 : vector<512x1536xf32>
    %mul3A_8 = arith.constant 0.040387895 : f32
    %mul3A_9 = vector.broadcast %mul3A_8 : f32 to vector<512x1536xf32>
    %mul3A_10 = arith.mulf %mul3A_9, %add3A : vector<512x1536xf32>
    %add3A_11 = arith.addf %mul3A_3, %mul3A_10 : vector<512x1536xf32>
    %mul3A_12 = arith.constant 0.919224202 : f32
    %mul3A_13 = vector.broadcast %mul3A_12 : f32 to vector<512x1536xf32>
    %mul3A_14 = arith.mulf %mul3A_13, %add3A_11 : vector<512x1536xf32>
    %slice3A_15 = vector.extract_strided_slice %add3A_11 {offsets = [0, 0], sizes = [512, 3], strides = [1, 1]} : vector<512x1536xf32> to vector<512x3xf32>
    %slice3A_16 = vector.extract_strided_slice %add3A_11 {offsets = [0, 0], sizes = [512, 1533], strides = [1, 1]} : vector<512x1536xf32> to vector<512x1533xf32>
    %concatenate3A_17 = tpu.concatenate %slice3A_15, %slice3A_16 in 1 : vector<512x3xf32>, vector<512x1533xf32> -> vector<512x1536xf32>
    %slice3A_18 = vector.extract_strided_slice %add3A_11 {offsets = [0, 1533], sizes = [512, 3], strides = [1, 1]} : vector<512x1536xf32> to vector<512x3xf32>
    %slice3A_19 = vector.extract_strided_slice %add3A_11 {offsets = [0, 3], sizes = [512, 1533], strides = [1, 1]} : vector<512x1536xf32> to vector<512x1533xf32>
    %concatenate3A_20 = tpu.concatenate %slice3A_19, %slice3A_18 in 1 : vector<512x1533xf32>, vector<512x3xf32> -> vector<512x1536xf32>
    %add3A_21 = arith.addf %concatenate3A_17, %concatenate3A_20 : vector<512x1536xf32>
    %mul3A_22 = arith.constant 0.040387895 : f32
    %mul3A_23 = vector.broadcast %mul3A_22 : f32 to vector<512x1536xf32>
    %mul3A_24 = arith.mulf %mul3A_23, %add3A_21 : vector<512x1536xf32>
    %add3A_25 = arith.addf %mul3A_14, %mul3A_24 : vector<512x1536xf32>
    %swap3A = arith.constant 0 : index
    %swap3A_26 = arith.constant 0 : index
    %swap3A_27 = vector.load %arg1[%swap3A, %swap3A_26] : memref<512x1536xf32, #tpu.memory_space<vmem>>, vector<512x1536xf32>
    tpu.vector_store %arg1[%swap3A, %swap3A_26], %add3A_25 {strides = array<i32>} : memref<512x1536xf32, #tpu.memory_space<vmem>>, vector<512x1536xf32>,
    return
  }
}

module attributes {stable_mosaic.version = 14 : i64} {
  func.func @_blur_clip_body(%arg0: memref<512x1536xf32, #tpu.memory_space<vmem>>, %arg1: memref<512x1536xf32, #tpu.memory_space<vmem>>) attributes {dimension_semantics = [], scalar_prefetch = 0 : i64, scratch_operands = 0 : i64, tpu.core_type = #tpu.core_type<tc>} {
    %get3A = arith.constant 0 : index
    %get3A_0 = arith.constant 0 : index
    %get3A_1 = vector.load %arg0[%get3A, %get3A_0] : memref<512x1536xf32, #tpu.memory_space<vmem>>, vector<512x1536xf32>
    %mul3A = arith.constant 0.919224202 : f32
    %mul3A_2 = vector.broadcast %mul3A : f32 to vector<512x1536xf32>
    %mul3A_3 = arith.mulf %mul3A_2, %get3A_1 : vector<512x1536xf32>
    %slice3A = vector.extract_strided_slice %get3A_1 {offsets = [0, 0], sizes = [1, 1536], strides = [1, 1]} : vector<512x1536xf32> to vector<1x1536xf32>
    %slice3A_4 = vector.extract_strided_slice %get3A_1 {offsets = [0, 0], sizes = [511, 1536], strides = [1, 1]} : vector<512x1536xf32> to vector<511x1536xf32>
    %concatenate3A = tpu.concatenate %slice3A, %slice3A_4 in 0 : vector<1x1536xf32>, vector<511x1536xf32> -> vector<512x1536xf32>
    %slice3A_5 = vector.extract_strided_slice %get3A_1 {offsets = [1, 0], sizes = [511, 1536], strides = [1, 1]} : vector<512x1536xf32> to vector<511x1536xf32>
    %slice3A_6 = vector.extract_strided_slice %get3A_1 {offsets = [511, 0], sizes = [1, 1536], strides = [1, 1]} : vector<512x1536xf32> to vector<1x1536xf32>
    %concatenate3A_7 = tpu.concatenate %slice3A_5, %slice3A_6 in 0 : vector<511x1536xf32>, vector<1x1536xf32> -> vector<512x1536xf32>
    %add3A = arith.addf %concatenate3A, %concatenate3A_7 : vector<512x1536xf32>
    %mul3A_8 = arith.constant 0.040387895 : f32
    %mul3A_9 = vector.broadcast %mul3A_8 : f32 to vector<512x1536xf32>
    %mul3A_10 = arith.mulf %mul3A_9, %add3A : vector<512x1536xf32>
    %add3A_11 = arith.addf %mul3A_3, %mul3A_10 : vector<512x1536xf32>
    %mul3A_12 = arith.constant 0.919224202 : f32
    %mul3A_13 = vector.broadcast %mul3A_12 : f32 to vector<512x1536xf32>
    %mul3A_14 = arith.mulf %mul3A_13, %add3A_11 : vector<512x1536xf32>
    %slice3A_15 = vector.extract_strided_slice %add3A_11 {offsets = [0, 0], sizes = [512, 3], strides = [1, 1]} : vector<512x1536xf32> to vector<512x3xf32>
    %slice3A_16 = vector.extract_strided_slice %add3A_11 {offsets = [0, 0], sizes = [512, 1533], strides = [1, 1]} : vector<512x1536xf32> to vector<512x1533xf32>
    %concatenate3A_17 = tpu.concatenate %slice3A_15, %slice3A_16 in 1 : vector<512x3xf32>, vector<512x1533xf32> -> vector<512x1536xf32>
    %slice3A_18 = vector.extract_strided_slice %add3A_11 {offsets = [0, 1533], sizes = [512, 3], strides = [1, 1]} : vector<512x1536xf32> to vector<512x3xf32>
    %slice3A_19 = vector.extract_strided_slice %add3A_11 {offsets = [0, 3], sizes = [512, 1533], strides = [1, 1]} : vector<512x1536xf32> to vector<512x1533xf32>
    %concatenate3A_20 = tpu.concatenate %slice3A_19, %slice3A_18 in 1 : vector<512x1533xf32>, vector<512x3xf32> -> vector<512x1536xf32>
    %add3A_21 = arith.addf %concatenate3A_17, %concatenate3A_20 : vector<512x1536xf32>
    %mul3A_22 = arith.constant 0.040387895 : f32
    %mul3A_23 = vector.broadcast %mul3A_22 : f32 to vector<512x1536xf32>
    %mul3A_24 = arith.mulf %mul3A_23, %add3A_21 : vector<512x1536xf32>
    %add3A_25 = arith.addf %mul3A_14, %mul3A_24 : vector<512x1536xf32>
    %jit3A = arith.constant 0.000000e+00 : f32
    %jit3A_26 = arith.constant 1.000000e+00 : f32
    %max3A = vector.broadcast %jit3A : f32 to vector<512x1536xf32>
    %max3A_27 = arith.maximumf %max3A, %add3A_25 : vector<512x1536xf32>
    %min3A = vector.broadcast %jit3A_26 : f32 to vector<512x1536xf32>
    %min3A_28 = arith.minimumf %min3A, %max3A_27 : vector<512x1536xf32>
    %swap3A = arith.constant 0 : index
    %swap3A_29 = arith.constant 0 : index
    %swap3A_30 = vector.load %arg1[%swap3A, %swap3A_29] : memref<512x1536xf32, #tpu.memory_space<vmem>>, vector<512x1536xf32>
    tpu.vector_store %arg1[%swap3A, %swap3A_29], %min3A_28 {strides = array<i32>} : memref<512x1536xf32, #tpu.memory_space<vmem>>, vector<512x1536xf32>,
    return
  }
}

</mosaic_0001>

<sc_bundles>
// kernel: kernel.5.cloned.1.call-start
scs
__scs_entry_jumppad:
0x0: {  	(pc) =	sbr.rel $0x88, $3  }
0x1: {  	(tag) =	ssettag $0x0;
	lr =	simm.s32 $0x1  }
0x2: {  	[smem:$0x3FA0] =	sst lr;
	_ =	strace $0xD0000000  }
0x3: {  	_ = 	snop  }
0x4: {  	_ = 	snop  }
0x5: {  	_ = 	snop  }
0x6: {  	_ = 	snop  }
0x7: {  	_ = 	snop  }
__scs_overlays_trampoline_lowered:
0x8: {  	[smem:$0x3FAF] =	sst s0  }
0x9: {  	[smem:$0x3FB0] =	sst s1  }
0xa: {  	[smem:$0x3FB1] =	sst s2  }
0xb: {  	[smem:$0x3FB2] =	sst s3  }
0xc: {  	[smem:$0x3FB3] =	sst s4  }
0xd: {  	[smem:$0x3FB4] =	sst s5  }
0xe: {  	[smem:$0x3FB5] =	sst s6  }
0xf: {  	[smem:$0x3FB6] =	sst s7  }
0x10: {  	[smem:$0x3FB7] =	sst s8  }
0x11: {  	[smem:$0x3FB8] =	sst s9;
	s0 =	simm.s32 @!p0 $0x0  }
0x12: {  	s1 =	sld [smem:$0x3F9E];
	s0 =	simm.s32 @p0 $0x1  }
0x13: {  	[smem:$0x3FB9] =	sst s0;
	s0 =	simm.s32 @!p1 $0x0  }
0x14: {  	s2 =	sld [smem:$0x3F9D];
	s0 =	simm.s32 @p1 $0x1  }
0x15: {  	[smem:$0x3FBA] =	sst s0;
	s0 =	simm.s32 @!p2 $0x0  }
0x16: {  	s3 =	sld [smem:$0x3FDB];
	s0 =	simm.s32 @p2 $0x1  }
0x17: {  	s4 =	simm.s32 $0x1BF5;
	[smem:$0x3FBC] =	sst s0  }
0x18: {  	s0 =	sld [smem:$0x3F9F];
	_ =	swait.ge [sflag:s4], $0x0  }
0x19: {  	s7 =	sld [smem:$0x3FA0]  }
0x1a: {  	s8 =	sadd.s32 $0xFFFFE003, lr  }
0x1b: {  	s9 =	sadd.s32 $0xFFFFFEF7, lr;
	s5 =	simm.s32 $0xFFFFFFFF;
	p2 =	slt.u32 s8, $0xFFFFF086  }
0x1c: {  	p1 =	slt.u32 s9, $0xF7A;
	s5 =	simm.s32 @!p2 $0x0  }
0x1d: {  	s5 =	simm.s32 @p1 $0x1;
	p0 =	seq.s32 s7, s2  }
0x1e: {  	s7 =	smul.u32 @!p0 $0xF7A, s2;
	p2 =	seq.s32 @!p0 s5, $0x0  }
0x1f: {  	s9 =	smul.u32 $0xF7A, s1;
	s8 =	simm.s32 @!p0 $0x1BF5;
	p2 =	por !p2, p0  }
0x20: {  	[sflag:s8] =	ssyncset.s32 @!p0 $0xFFFFF086;
	s6 =	sadd.s32 @!p0 s3, s7;
	s7 =	simm.s32 @!p0 $0x108  }
0x21: {  	s3 =	sadd.s32 s3, s9;
	s6 =	sadd.s32 @!p0 $0x88, s6;
	s7 =	simm.s32 @p2 $0x1082  }
0x22: {  	[simem:s7], [sflag:s8] =	dma.local @!p0 [hbm:s6], $0xF7A  }
0x23: {  	s9 =	sor.u32 $0xD0000000, s2;
	s6 =	simm.s32 $0x108;
	_ =	swait.ge @!p0 [sflag:s8], $0x0  }
0x24: {  	s3 =	sadd.s32 $0x88, s3;
	s6 =	simm.s32 @!p1 $0x1082;
	[sflag:s4] =	ssyncset.s32 $0xFFFFF086  }
0x25: {  	[simem:s6], [sflag:s4] =	dma.local [hbm:s3], $0xF7A  }
0x26: {  	[smem:$0x3FA0] =	sst s1;
	(tag) =	ssettag s2;
	_ =	strace s9  }
0x27: {  	s1 =	sld [smem:$0x3FB0]  }
0x28: {  	s2 =	sld [smem:$0x3FB1]  }
0x29: {  	s4 =	sld [smem:$0x3FB3]  }
0x2a: {  	p0 =	seq.s32 s5, $0x0;
	s5 =	sld [smem:$0x3FB4]  }
0x2b: {  	s6 =	sld [smem:$0x3FB5]  }
0x2c: {  	s7 =	sld [smem:$0x3FB6]  }
0x2d: {  	s3 =	simm.s32 $0x108;
	s8 =	sld [smem:$0x3FB7]  }
0x2e: {  	s3 =	simm.s32 @!p0 $0x1082;
	s9 =	sld [smem:$0x3FB8]  }
0x2f: {  	lr =	sadd.s32 s0, s3;
	s0 =	sld [smem:$0x3FAF]  }
0x30: {  	s3 =	sld [smem:$0x3FB2]  }
0x31: {  	[smem:$0x3FBB] =	sst s10  }
0x32: {  	s10 =	sld [smem:$0x3FB9];
	_ =	sdelay $0x3  }
0x33: {  	p0 =	seq.s32 s10, $0x1;
	s10 =	sld [smem:$0x3FBB];
	_ =	sdelay $0x3  }
0x34: {  	[smem:$0x3FBB] =	sst s10  }
0x35: {  	s10 =	sld [smem:$0x3FBA];
	_ =	sdelay $0x3  }
0x36: {  	p1 =	seq.s32 s10, $0x1;
	s10 =	sld [smem:$0x3FBB];
	_ =	sdelay $0x3  }
0x37: {  	[smem:$0x3FBB] =	sst s10  }
0x38: {  	s10 =	sld [smem:$0x3FBC]  }
0x39: {  	_ = 	snop;
	(pc) =	sbr.ind lr, $3  }
0x3a: {  	_ = 	snop  }
0x3b: {  	_ = 	snop  }
0x3c: {  	p2 =	seq.s32 s10, $0x1;
	s10 =	sld [smem:$0x3FBB]  }
0x3d: {  	_ =	shalt  }
0x3e: {  	_ =	shalt  }
0x3f: {  	_ =	shalt  }
0x40: {  	_ =	shalt  }
0x41: {  	_ =	shalt  }
0x42: {  	_ =	shalt  }
0x43: {  	_ =	shalt  }
0x44: {  	_ =	shalt  }
0x45: {  	_ =	shalt  }
0x46: {  	_ =	shalt  }
0x47: {  	_ =	shalt  }
0x48: {  	_ =	shalt  }
0x49: {  	_ =	shalt  }
0x4a: {  	_ =	shalt  }
0x4b: {  	_ =	shalt  }
0x4c: {  	_ =	shalt  }
0x4d: {  	_ =	shalt  }
0x4e: {  	_ =	shalt  }
0x4f: {  	_ =	shalt  }
0x50: {  	_ =	shalt  }
0x51: {  	_ =	shalt  }
0x52: {  	_ =	shalt  }
0x53: {  	_ =	shalt  }
0x54: {  	_ =	shalt  }
0x55: {  	_ =	shalt  }
0x56: {  	_ =	shalt  }
0x57: {  	_ =	shalt  }
0x58: {  	_ =	shalt  }
0x59: {  	_ =	shalt  }
0x5a: {  	_ =	shalt  }
0x5b: {  	_ =	shalt  }
0x5c: {  	_ =	shalt  }
0x5d: {  	_ =	shalt  }
0x5e: {  	_ =	shalt  }
0x5f: {  	_ =	shalt  }
0x60: {  	_ =	shalt  }
0x61: {  	_ =	shalt  }
0x62: {  	_ =	shalt  }
0x63: {  	_ =	shalt  }
0x64: {  	_ =	shalt  }
0x65: {  	_ =	shalt  }
0x66: {  	_ =	shalt  }
0x67: {  	_ =	shalt  }
0x68: {  	_ =	shalt  }
0x69: {  	_ =	shalt  }
0x6a: {  	_ =	shalt  }
0x6b: {  	_ =	shalt  }
0x6c: {  	_ =	shalt  }
0x6d: {  	_ =	shalt  }
0x6e: {  	_ =	shalt  }
0x6f: {  	_ =	shalt  }
0x70: {  	_ =	shalt  }
0x71: {  	_ =	shalt  }
0x72: {  	_ =	shalt  }
0x73: {  	_ =	shalt  }
0x74: {  	_ =	shalt  }
0x75: {  	_ =	shalt  }
0x76: {  	_ =	shalt  }
0x77: {  	_ =	shalt  }
0x78: {  	_ =	shalt  }
0x79: {  	_ =	shalt  }
0x7a: {  	_ =	shalt  }
0x7b: {  	_ =	shalt  }
0x7c: {  	_ =	shalt  }
0x7d: {  	_ =	shalt  }
0x7e: {  	_ =	shalt  }
0x7f: {  	_ =	shalt  }
0x80: {  	_ =	shalt  }
0x81: {  	_ =	shalt  }
0x82: {  	_ =	shalt  }
0x83: {  	_ =	shalt  }
0x84: {  	_ =	shalt  }
0x85: {  	_ =	shalt  }
0x86: {  	_ =	shalt  }
0x87: {  	_ =	shalt  }
.Lfunc_end0:
.L_simem_size_0:
called_computation_lowered:
.L_overlay_start_0:
0x88: {  	s2 =	sld [smem:$0x3FD9]  }
0x89: {  	s3 =	sld [smem:$0x3FFE];
	_ =	sdelay $0x1  }
0x8a: {  	s1 =	srdreg.scid  }
0x8b: {  	s0 =	sand.u32 $0x1, s1  }
0x8c: {  	s17 =	sshll.u32 s0, $0xA;
	s2 =	sadd.s32 s3, s2  }
0x8d: {  	s2 =	sadd.s32 s2, s17  }
0x8e: {  	[smem:$0x3FC7] =	sst s2  }
0x8f: {  	_ = 	snop  }
0x90: {  	s2 =	sld [smem:$0x3FD0];
	(tm) =	ssettm $0x1  }
0x91: {  	s18 =	sld [smem:$0x3FFB];
	_ =	sdelay $0x3  }
0x92: {  	_ =	strace s18  }
0x93: {  	s3 =	sld [smem:$0x3FFC];
	_ =	sdelay $0x3  }
0x94: {  	_ =	strace s3  }
0x95: {  	s3 =	sld [smem:$0x3FFD];
	_ =	sdelay $0x3  }
0x96: {  	_ =	strace s3  }
0x97: {  	_ =	strace $0x8FFFFFFF  }
0x98: {  	s19 =	sld [smem:$0x3FDB];
	_ =	sdelay $0x1  }
0x99: {  	s4 =	simm.s32 $_scs_section_size  }
0x9a: {  	s5 =	simm.s32 $_size__tile_overlayer_lowered;
	s6 =	simm.s32 $_tile_overlayer_lowered  }
0x9b: {  	s22 =	simm.s32 $0x1BFF;
	s21 =	sshll.u32 s6, $0x1;
	s3 =	sadd.s32 s4, s19  }
0x9c: {  	s7 =	simm.s32 $0x0;
	s20 =	sshll.u32 s5, $0x1;
	s5 =	sadd.s32 s21, s3  }
0x9d: {  	[timem:s7], [sflag:s22] =	dma.local [hbm:s5], s20  }
0x9e: {  	_ =	swait.ge [sflag:s22], s20  }
0x9f: {  	s4 =	ssub.s32 $0x0, s20;
	[sflag:s22] =	ssyncset.done $0x0  }
0xa0: {  	[sflag:s22] =	ssyncadd.s32 s4;
	_ =	sdelay $0x1  }
0xa1: {  	s23 =	simm.s32 $0x1B8B  }
0xa2: {  	_ =	swait.ge [sflag:s23], $0x1  }
0xa3: {  	[sflag:s23] =	ssyncset.done $0x0  }
0xa4: {  	s25 =	simm.s32 $0x1B8E;
	s24 =	sld [smem:$0x3FFE];
	[sflag:s23] =	ssyncadd.s32 $0xFFFFFFFF  }
0xa5: {  	s26 =	simm.s32 $execute0_lowered;
	[smem:$0x3FD2] =	sst s25  }
0xa6: {  	s5 =	sshll.u32 s26, $0x1;
	_ =	strace $0x80000046;
	[dreg:$0x1] =	wrdreg $0xFFFFFFFF  }
0xa7: {  	s28 =	simm.s32 $_size_execute0_lowered;
	s3 =	sadd.s32 s3, s5;
	[dreg:$0x0] =	wrdreg $0x0  }
0xa8: {  	s5 =	sshll.u32 s28, $0x1;
	[dreg:$0x2] =	wrdreg s3  }
0xa9: {  	[dreg:$0x3] =	wrdreg s5  }
0xaa: {  	[dreg:$0x4] =	wrdreg $0xC0  }
0xab: {  	_ =	task [dreg:s7], $0x5FFFF  }
0xac: {  	[dreg:$0x1] =	wrdreg $0xFFFFFFFF  }
0xad: {  	[dreg:$0x0] =	wrdreg $0x60  }
0xae: {  	[dreg:$0x2] =	wrdreg s2  }
0xaf: {  	[dreg:$0x3] =	wrdreg s24  }
0xb0: {  	[dreg:$0x4] =	wrdreg $0x9  }
0xb1: {  	_ =	task.clear_ibuf [dreg:s7], $0x5FFFF;
	_ =	strace $0x90000046  }
0xb2: {  	s29 =	simm.s32 $0x9;
	_ =	strace $0x80000048  }
0xb3: {  	_ =	swait.ge [sflag:s29], $0x1  }
0xb4: {  	[sflag:s29] =	ssyncadd.s32 $0xFFFFFFFF  }
0xb5: {  	_ =	strace $0x90000048  }
0xb6: {  	_ =	sfence  }
0xb7: {  	s30 =	sld [smem:$0x0];
	_ =	sdelay $0x2  }
0xb8: {  	s31 =	sshll.u32 s1, $0xD;
	s1 =	sshrl.u32 s1, $0x2  }
0xb9: {  	s3 =	sand.u32 $0x4000, s31;
	s1 =	sadd.s32 s1, s30  }
0xba: {  	s0 =	sor.u32 s3, s0;
	s1 =	sshll.u32 s1, $0x11  }
0xbb: {  	s0 =	sor.u32 s1, s0  }
0xbc: {  	s0 =	sadd.s32 $0x8F2B, s0  }
0xbd: {  	[sflag:s0] =	ssyncadd.remote.s32 $0x1  }
0xbe: {  	_ =	sfence.sel $0xFFFF  }
0xbf: {  	[dreg:$0x0] =	wrdreg $0xFFFFFFFF;
	(pc) =	sbr.abs _section_cstart, $3  }
0xc0: {  	[dreg:$0x1] =	wrdreg $0xFFFFFFFF  }
0xc1: {  	_ =	task.clear_ibuf [dreg:s7], $0x2FFFF;
	_ =	strace $0x9FFFFFFF  }
0xc2: {  	(tm) =	ssettm $0x7FFFFFFF  }
0xc3: {  	_ =	shalt  }
tec
execute0_lowered:
.L_overlay_start_1:
0x0: {  	(tag) =	ssettag $0x1  }
0x1: {  	s1 =	srdreg.scid;
	s0 =	stileid.u32  }
0x2: {  	s3 =	sand.u32 $0x1, s1;
	s30 =	sshll.u32 s0, $0x1  }
0x3: {  	s5 =	rddreg [dreg:$0x0];
	s4 =	sor.u32 s3, s30  }
0x4: {  	s6 =	rddreg [dreg:$0x1];
	s1 =	sshll.u32 s4, $0x4  }
0x5: {  	s2 =	simm.s32 $0x0;
	s9 =	simm.s32 $0xC600;
	s7 =	smax.u32 s1, $0x1  }
0x6: {  	s10 =	simm.s32 $0x0;
	s3 =	ssub.s32 $0x2, s3;
	s7 =	smul.u32 $0x600, s7  }
0x7: {  	[smem:$0x7FF] =	sst s2;
	s4 =	smul.u32 $0xC00, s4;
	s31 =	sshrl.u32 s3, $0x1  }
0x8: {  	s1 =	rddreg [dreg:$0x2];
	_ =	strace $0x80000047;
	s7 =	sadd.s32 $0xFFFFFA00, s7  }
0x9: {  	s8 =	ssub.s32 s3, s31;
	s6 =	sadd.s32 s4, s6;
	s7 =	sshrl.u32 s7, $0x3  }
0xa: {  	s4 =	sadd.s32 $0x600, s6;
	s3 =	sadd.s32 s5, s7;
	s5 =	sadd.s32 $0x18600, s6  }
0xb: {  	s6 =	smax.u32 s8, $0x1;
	s7 =	simm.s32 $0x1;
	s8 =	simm.s32 $0x6600  }
.LBB2_1:
0xc: {  	[tilespmem:s2], [sflag:$0x1] =	stream.linear.gather [hbm4b:s3+s2], $0x6600, $0x38;
	[tilespmem:$0x12600] =	vst v63  }
0xd: {  	_ =	swait.ge [sflag:s7], $0x6600  }
0xe: {  	[sflag:s7] =	ssyncset.done $0x0  }
0xf: {  	[sflag:s7] =	ssyncadd.s32 $0xFFFF9A00  }
0x10: {  	[tilespmem:s8], [sflag:$0x1] =	stream.linear.gather [hbm4b:s4+s2], $0x6000, $0x38;
	[tilespmem:$0x12600] =	vst v63  }
0x11: {  	_ =	swait.ge [sflag:s7], $0x6000  }
0x12: {  	[sflag:s7] =	ssyncset.done $0x0  }
0x13: {  	s11 =	simm.s32 $0x6640;
	[sflag:s7] =	ssyncadd.s32 $0xFFFFA000  }
0x14: {  	v0 =	vld [tilespmem:s11+$0x30]  }
0x15: {  	v1 =	vld [tilespmem:s11+$0xFFFFFFD0]  }
0x16: {  	v2 =	vld [tilespmem:s11+$0xFFFFFFE0]  }
0x17: {  	v3 =	vld [tilespmem:s11+$0xFFFFFFF0]  }
0x18: {  	v4 =	vld [tilespmem:s11+$0x0]  }
0x19: {  	v6 =	vld [tilespmem:s11+$0x10]  }
0x1a: {  	v7 =	vld [tilespmem:s11+$0x20]  }
0x1b: {  	v8 =	vld [tilespmem:s11+$0xFFFFFFC0]  }
0x1c: {  	v9 =	vld.idx.msk [tilespmem:v0+s2+$0x0], $0xffff  }
0x1d: {  	v10 =	vld.idx.msk [tilespmem:v1+s2+$0x0], $0xffff  }
0x1e: {  	v5 =	vld.idx.msk [tilespmem:v2+s2+$0x0], $0xffff  }
0x1f: {  	v3 =	vld.idx.msk [tilespmem:v3+s2+$0x0], $0xffff  }
0x20: {  	v0 =	vld.idx.msk [tilespmem:v4+s2+$0x0], $0xffff  }
0x21: {  	s11 =	simm.s32 $0xC640;
	v1 =	vld.idx.msk [tilespmem:v6+s2+$0x0], $0xffff  }
0x22: {  	v2 =	vld.idx.msk [tilespmem:v7+s2+$0x0], $0xffff;
	[tilespmem:s11+$0x30] =	vst v9  }
0x23: {  	s12 =	simm.s32 $0x0;
	s13 =	simm.s32 $0x66C0;
	v4 =	vld.idx.msk [tilespmem:v8+s2+$0x0], $0xffff;
	[tilespmem:s11+$0xFFFFFFD0] =	vst v10  }
.LBB2_2:
0x24: {  	v6 =	vld [tilespmem:s13+$0x30];
	s12 =	sadd.s32 $0x8, s12;
	[tilespmem:s11+$0xFFFFFFE0] =	vst v5  }
0x25: {  	v5 =	vld [tilespmem:s13+$0xFFFFFFD0];
	p0 =	slt.u32 s12, $0x5F8;
	[tilespmem:s11+$0xFFFFFFF0] =	vst v3  }
0x26: {  	v3 =	vld [tilespmem:s13+$0xFFFFFFE0];
	[tilespmem:s11+$0x0] =	vst v0  }
0x27: {  	v0 =	vld [tilespmem:s13+$0xFFFFFFF0];
	[tilespmem:s11+$0x10] =	vst v1  }
0x28: {  	v1 =	vld [tilespmem:s13+$0x0];
	[tilespmem:s11+$0x20] =	vst v2  }
0x29: {  	v2 =	vld [tilespmem:s13+$0x10];
	[tilespmem:s11+$0xFFFFFFC0] =	vst v4  }
0x2a: {  	v4 =	vld [tilespmem:s13+$0x20]  }
0x2b: {  	v7 =	vld [tilespmem:s13+$0xFFFFFFC0]  }
0x2c: {  	v6 =	vld.idx.msk [tilespmem:v6+s2+$0x0], $0xffff  }
0x2d: {  	v8 =	vld.idx.msk [tilespmem:v5+s2+$0x0], $0xffff  }
0x2e: {  	v5 =	vld.idx.msk [tilespmem:v3+s2+$0x0], $0xffff  }
.Ltmp0:
0x2f: {  	v3 =	vld.idx.msk [tilespmem:v0+s2+$0x0], $0xffff;
	(pc) =	sbr.rel @p0 .LBB2_2-.Ltmp0, $4  }
0x30: {  	v0 =	vld.idx.msk [tilespmem:v1+s2+$0x0], $0xffff  }
0x31: {  	s11 =	sadd.s32 $0x80, s11;
	v1 =	vld.idx.msk [tilespmem:v2+s2+$0x0], $0xffff  }
0x32: {  	v2 =	vld.idx.msk [tilespmem:v4+s2+$0x0], $0xffff;
	[tilespmem:s11+$0x30] =	vst v6  }
0x33: {  	s13 =	sadd.s32 $0x80, s13;
	v4 =	vld.idx.msk [tilespmem:v7+s2+$0x0], $0xffff;
	[tilespmem:s11+$0xFFFFFFD0] =	vst v8  }
0x34: {  	[tilespmem:s11+$0xFFFFFFE0] =	vst v5  }
0x35: {  	[tilespmem:s11+$0xFFFFFFF0] =	vst v3  }
0x36: {  	[tilespmem:s11+$0x0] =	vst v0  }
0x37: {  	s10 =	sadd.s32 $0x1, s10;
	[tilespmem:s11+$0x10] =	vst v1  }
0x38: {  	p0 =	sne.s32 s10, s6;
	[tilespmem:s11+$0x20] =	vst v2  }
.Ltmp1:
0x39: {  	[tilespmem:s11+$0xFFFFFFC0] =	vst v4;
	(pc) =	sbr.rel @p0 .LBB2_1-.Ltmp1, $4  }
0x3a: {  	[hbm4b:s5+s2] =	stream.linear.scatter [tilespmem:s9], [sflag:$0x1], $0x6000, $0x38;
	[tilespmem:$0x12600] =	vst v63  }
0x3b: {  	_ =	swait.ge [sflag:s7], $0x6000  }
0x3c: {  	[sflag:s7] =	ssyncset.done $0x0  }
0x3d: {  	[sflag:s7] =	ssyncadd.s32 $0xFFFFA000  }
0x3e: {  	_ =	sfence.sel $0x180000  }
0x3f: {  	[bflag:$0x0] =	sbarrier.arrive $0xFFFF  }
0x40: {  	p0 =	sne.s32 s0, $0x0;
	_ =	strace $0x90000047  }
0x41: {  	s0 =	sadd.s32 @!p0 $0x100000, s1;
	[bflag:$0x2] =	sbarrier.arrive $0xFFFF  }
0x42: {  	[sflag:s0] =	ssyncadd.tile.s32 @!p0 $0x1;
	_ =	shalt  }
.Lfunc_end2:
_tile_overlayer_lowered:
.L_overlay_start_2:
0x43: {  	(tag) =	ssettag $0x2  }
0x44: {  	s0 =	rddreg [dreg:$0x0];
	s2 =	stileid.u32  }
0x45: {  	s1 =	rddreg [dreg:$0x1];
	p0 =	sne.s32 s2, $0x0  }
0x46: {  	s3 =	rddreg [dreg:$0x2];
	[bflag:$0x3] =	sbarrier.arrive $0xFFFF;
	s2 =	simm.s32 @!p0 $0x1C01  }
0x47: {  	[timem:s3], [sflag:s2] =	dma.local @!p0 [hbm:s0], s1  }
0x48: {  	s0 =	simm.s32 @!p0 $0x1  }
0x49: {  	_ =	swait.ge @!p0 [sflag:s0], s1  }
0x4a: {  	s1 =	ssub.s32 @!p0 $0x0, s1;
	[sflag:s0] =	ssyncset.done @!p0 $0x0  }
0x4b: {  	[sflag:s0] =	ssyncadd.s32 @!p0 s1  }
0x4c: {  	[bflag:$0x3] =	sbarrier.arrive $0xFFFF  }
0x4d: {  	_ =	shalt  }

</sc_bundles>
